<compile_context>
chip_gen: v7x
topology: tpu7x:2x2x1
jax: 0.10.2.dev20260603
libtpu: 0.0.44.dev20260713+nightly
codegen_flags: <defaults>
</compile_context>

<pallas_src>
import functools

import jax
import jax.numpy as jnp
from jax import lax
from jax.experimental import pallas as pl
from jax.experimental.pallas import tpu as pltpu
from jax.experimental.pallas import tpu_sc as plsc

_E = 6_400_000
_NC = 2
_NS = 16
_NW = _NC * _NS
_PER_W = _E // _NW
_NBUF = 5
_CHUNK = 8_000
_NCHUNK = _PER_W // _CHUNK
_L = 16


def _body(types_hbm, table_hbm, out_hbm, table_v, exp_v, *bufs):
    idx_bufs = bufs[0:_NBUF]
    out_bufs = bufs[_NBUF:2 * _NBUF]
    sin = bufs[2 * _NBUF:3 * _NBUF]
    sout = bufs[3 * _NBUF:4 * _NBUF]

    wid = lax.axis_index("s") * _NC + lax.axis_index("c")
    base = wid * _PER_W

    pltpu.sync_copy(table_hbm, table_v.at[pl.ds(0, 17)])
    exp_v[pl.ds(0, _L)] = jnp.exp(table_v[pl.ds(0, _L)])
    exp_v[pl.ds(_L, _L)] = jnp.exp(table_v[pl.ds(_L, _L)])

    for b in range(_NBUF):
        pltpu.async_copy(
            types_hbm.at[pl.ds(base + b * _CHUNK, _CHUNK)], idx_bufs[b], sin[b])

    def group_body(g, carry):
        for b in range(_NBUF):
            ci = g * _NBUF + b
            off = base + ci * _CHUNK
            iv = idx_bufs[b]
            ov = out_bufs[b]
            pltpu.make_async_copy(
                types_hbm.at[pl.ds(off, _CHUNK)], iv, sin[b]).wait()


            @pl.when(ci + _NBUF < _NCHUNK)
            def _():
                pltpu.async_copy(
                    types_hbm.at[pl.ds(off + _NBUF * _CHUNK, _CHUNK)], iv, sin[b])
        return carry

    lax.fori_loop(0, _NCHUNK // _NBUF, group_body, 0)


_sc_call = functools.partial(
    pl.kernel,
    out_type=jax.ShapeDtypeStruct((_E,), jnp.float32),
    mesh=plsc.VectorSubcoreMesh(
        core_axis_name="c", subcore_axis_name="s", num_cores=_NC, num_subcores=_NS
    ),
    compiler_params=pltpu.CompilerParams(
        needs_layout_passes=False, skip_device_barrier=True
    ),
    scratch_types=(
        [
            pltpu.VMEM((32,), jnp.float32),
            pltpu.VMEM((32,), jnp.float32),
        ]
        + [pltpu.VMEM((_CHUNK,), jnp.int32) for _ in range(_NBUF)]
        + [pltpu.VMEM((_CHUNK,), jnp.float32) for _ in range(_NBUF)]
        + [pltpu.SemaphoreType.DMA for _ in range(2 * _NBUF)]
    ),
)(_body)


def kernel(edge_types, importance):
    return _sc_call(edge_types.astype(jnp.int32), importance.reshape(-1))

# --- scband reference (transcript-rebuilt; emitter-appended) ---
"""Pipeline reference for scband-learned-edge-importance-86672440033595 (READ-ONLY COPY).

The authoritative reference and input builder live on the scoring server;
editing this copy changes nothing except your own understanding.
"""

import jax, jax.numpy as jnp
import numpy as np

NUM_EDGE_TYPES = 17
E = 6400000


def setup_inputs(seed: int = 0) -> dict:
    key = jax.random.key(seed)
    k1, k2 = jax.random.split(key)
    edge_types = jax.random.randint(k1, (E,), 0, NUM_EDGE_TYPES, dtype=jnp.int64 if jax.config.jax_enable_x64 else jnp.int32)
    # learned importance table [num_edge_types, 1]; module inits to zeros,
    # use small random values to represent a trained state
    importance = 0.1 * jax.random.normal(k2, (NUM_EDGE_TYPES, 1), dtype=jnp.float32)
    return {"edge_types": edge_types, "importance": importance}


def reference(edge_types, importance):
    # embedding lookup -> exp -> squeeze last dim
    gathered = jnp.take(importance, edge_types, axis=0)  # [E, 1]
    return jnp.exp(gathered).squeeze(-1)  # [E]

if __name__ == "__main__":
    import jax
    _d = setup_inputs()
    print(jax.jit(kernel)(*tuple(_d.values())))

</pallas_src>

<mosaic_0001>
#map = affine_map<(d0, d1) -> (0)>
module attributes {stable_mosaic.version = 14 : i64} {
  func.func @_body(%arg0: i32, %arg1: i32, %arg2: memref<6400000xi32, #tpu.memory_space<hbm>>, %arg3: memref<17xf32, #tpu.memory_space<hbm>>, %arg4: memref<6400000xf32, #tpu.memory_space<hbm>>, %arg5: memref<32xf32, #tpu.memory_space<vmem>>, %arg6: memref<32xf32, #tpu.memory_space<vmem>>, %arg7: memref<8000xi32, #tpu.memory_space<vmem>>, %arg8: memref<8000xi32, #tpu.memory_space<vmem>>, %arg9: memref<8000xi32, #tpu.memory_space<vmem>>, %arg10: memref<8000xi32, #tpu.memory_space<vmem>>, %arg11: memref<8000xi32, #tpu.memory_space<vmem>>, %arg12: memref<8000xf32, #tpu.memory_space<vmem>>, %arg13: memref<8000xf32, #tpu.memory_space<vmem>>, %arg14: memref<8000xf32, #tpu.memory_space<vmem>>, %arg15: memref<8000xf32, #tpu.memory_space<vmem>>, %arg16: memref<8000xf32, #tpu.memory_space<vmem>>, %arg17: memref<!tpu.dma_semaphore, #tpu.memory_space<semaphore_mem>>, %arg18: memref<!tpu.dma_semaphore, #tpu.memory_space<semaphore_mem>>, %arg19: memref<!tpu.dma_semaphore, #tpu.memory_space<semaphore_mem>>, %arg20: memref<!tpu.dma_semaphore, #tpu.memory_space<semaphore_mem>>, %arg21: memref<!tpu.dma_semaphore, #tpu.memory_space<semaphore_mem>>, %arg22: memref<!tpu.dma_semaphore, #tpu.memory_space<semaphore_mem>>, %arg23: memref<!tpu.dma_semaphore, #tpu.memory_space<semaphore_mem>>, %arg24: memref<!tpu.dma_semaphore, #tpu.memory_space<semaphore_mem>>, %arg25: memref<!tpu.dma_semaphore, #tpu.memory_space<semaphore_mem>>, %arg26: memref<!tpu.dma_semaphore, #tpu.memory_space<semaphore_mem>>) attributes {dimension_semantics = [#tpu.dimension_semantics<core_parallel>, #tpu.dimension_semantics<subcore_parallel>], iteration_bounds = array<i64: 2, 16>, scalar_prefetch = 0 : i64, scratch_operands = 22 : i64, tpu.core_type = #tpu.core_type<sc_vector_subcore>, window_params = [{transform_indices = #map}, {transform_indices = #map}, {transform_indices = #map}]} {
    %mul3A = arith.constant 2 : i32
    %mul3A_0 = arith.muli %arg1, %mul3A : i32
    %add3A = arith.addi %mul3A_0, %arg0 : i32
    %mul3A_1 = arith.constant 200000 : i32
    %mul3A_2 = arith.muli %add3A, %mul3A_1 : i32
    "tpu.region"() ({
      %run_scoped3A = tpu.sem_alloc : memref<!tpu.dma_semaphore, #tpu.memory_space<semaphore_mem>>
      %dma_start3A_34 = arith.constant 0 : i32
      %dma_start3A_35 = tpu.memref_slice %arg5[%dma_start3A_34] : memref<32xf32, #tpu.memory_space<vmem>> -> memref<17xf32, #tpu.memory_space<vmem>>
      %dma_start3A_36 = arith.constant 0 : i32
      %dma_start3A_37 = tpu.memref_slice %arg5[%dma_start3A_36] : memref<32xf32, #tpu.memory_space<vmem>> -> memref<17xf32, #tpu.memory_space<vmem>>
      tpu.enqueue_dma source(%arg3 : memref<17xf32, #tpu.memory_space<hbm>>) target(%dma_start3A_37 : memref<17xf32, #tpu.memory_space<vmem>>) target_semaphore(%run_scoped3A : memref<!tpu.dma_semaphore, #tpu.memory_space<semaphore_mem>>)
      %dma_wait3A = arith.constant 0 : i32
      %dma_wait3A_38 = tpu.memref_slice %arg5[%dma_wait3A] : memref<32xf32, #tpu.memory_space<vmem>> -> memref<17xf32, #tpu.memory_space<vmem>>
      %dma_wait3A_39 = arith.constant 0 : i32
      %dma_wait3A_40 = tpu.memref_slice %arg5[%dma_wait3A_39] : memref<32xf32, #tpu.memory_space<vmem>> -> memref<17xf32, #tpu.memory_space<vmem>>
      tpu.wait_dma2 semaphore(%run_scoped3A : memref<!tpu.dma_semaphore, #tpu.memory_space<semaphore_mem>>) src(%arg3 : memref<17xf32, #tpu.memory_space<hbm>>) dst(%dma_wait3A_40 : memref<17xf32, #tpu.memory_space<vmem>>)
      tpu.yield
    }) : () -> ()
    %get3A = arith.constant 0 : index
    %get3A_3 = tpu.vector_load %arg5[%get3A] {strides = array<i32>} : memref<32xf32, #tpu.memory_space<vmem>>, vector<16xf32>,
    %exp3A = math.exp %get3A_3 : vector<16xf32>
    %swap3A = arith.constant 0 : index
    %swap3A_4 = tpu.vector_load %arg6[%swap3A] {strides = array<i32>} : memref<32xf32, #tpu.memory_space<vmem>>, vector<16xf32>,
    tpu.vector_store %arg6[%swap3A], %exp3A {strides = array<i32>} : memref<32xf32, #tpu.memory_space<vmem>>, vector<16xf32>,
    %get3A_5 = arith.constant 16 : index
    %get3A_6 = tpu.vector_load %arg5[%get3A_5] {strides = array<i32>} : memref<32xf32, #tpu.memory_space<vmem>>, vector<16xf32>,
    %exp3A_7 = math.exp %get3A_6 : vector<16xf32>
    %swap3A_8 = arith.constant 16 : index
    %swap3A_9 = tpu.vector_load %arg6[%swap3A_8] {strides = array<i32>} : memref<32xf32, #tpu.memory_space<vmem>>, vector<16xf32>,
    tpu.vector_store %arg6[%swap3A_8], %exp3A_7 {strides = array<i32>} : memref<32xf32, #tpu.memory_space<vmem>>, vector<16xf32>,
    %add3A_10 = arith.constant 0 : i32
    %add3A_11 = arith.addi %mul3A_2, %add3A_10 : i32
    %dma_start3A = tpu.memref_slice %arg2[%add3A_11] : memref<6400000xi32, #tpu.memory_space<hbm>> -> memref<8000xi32, #tpu.memory_space<hbm>>
    %dma_start3A_12 = tpu.memref_slice %arg2[%add3A_11] : memref<6400000xi32, #tpu.memory_space<hbm>> -> memref<8000xi32, #tpu.memory_space<hbm>>
    tpu.enqueue_dma source(%dma_start3A_12 : memref<8000xi32, #tpu.memory_space<hbm>>) target(%arg7 : memref<8000xi32, #tpu.memory_space<vmem>>) target_semaphore(%arg17 : memref<!tpu.dma_semaphore, #tpu.memory_space<semaphore_mem>>)
    %add3A_13 = arith.constant 8000 : i32
    %add3A_14 = arith.addi %mul3A_2, %add3A_13 : i32
    %dma_start3A_15 = tpu.memref_slice %arg2[%add3A_14] : memref<6400000xi32, #tpu.memory_space<hbm>> -> memref<8000xi32, #tpu.memory_space<hbm>>
    %dma_start3A_16 = tpu.memref_slice %arg2[%add3A_14] : memref<6400000xi32, #tpu.memory_space<hbm>> -> memref<8000xi32, #tpu.memory_space<hbm>>
    tpu.enqueue_dma source(%dma_start3A_16 : memref<8000xi32, #tpu.memory_space<hbm>>) target(%arg8 : memref<8000xi32, #tpu.memory_space<vmem>>) target_semaphore(%arg18 : memref<!tpu.dma_semaphore, #tpu.memory_space<semaphore_mem>>)
    %add3A_17 = arith.constant 16000 : i32
    %add3A_18 = arith.addi %mul3A_2, %add3A_17 : i32
    %dma_start3A_19 = tpu.memref_slice %arg2[%add3A_18] : memref<6400000xi32, #tpu.memory_space<hbm>> -> memref<8000xi32, #tpu.memory_space<hbm>>
    %dma_start3A_20 = tpu.memref_slice %arg2[%add3A_18] : memref<6400000xi32, #tpu.memory_space<hbm>> -> memref<8000xi32, #tpu.memory_space<hbm>>
    tpu.enqueue_dma source(%dma_start3A_20 : memref<8000xi32, #tpu.memory_space<hbm>>) target(%arg9 : memref<8000xi32, #tpu.memory_space<vmem>>) target_semaphore(%arg19 : memref<!tpu.dma_semaphore, #tpu.memory_space<semaphore_mem>>)
    %add3A_21 = arith.constant 24000 : i32
    %add3A_22 = arith.addi %mul3A_2, %add3A_21 : i32
    %dma_start3A_23 = tpu.memref_slice %arg2[%add3A_22] : memref<6400000xi32, #tpu.memory_space<hbm>> -> memref<8000xi32, #tpu.memory_space<hbm>>
    %dma_start3A_24 = tpu.memref_slice %arg2[%add3A_22] : memref<6400000xi32, #tpu.memory_space<hbm>> -> memref<8000xi32, #tpu.memory_space<hbm>>
    tpu.enqueue_dma source(%dma_start3A_24 : memref<8000xi32, #tpu.memory_space<hbm>>) target(%arg10 : memref<8000xi32, #tpu.memory_space<vmem>>) target_semaphore(%arg20 : memref<!tpu.dma_semaphore, #tpu.memory_space<semaphore_mem>>)
    %add3A_25 = arith.constant 32000 : i32
    %add3A_26 = arith.addi %mul3A_2, %add3A_25 : i32
    %dma_start3A_27 = tpu.memref_slice %arg2[%add3A_26] : memref<6400000xi32, #tpu.memory_space<hbm>> -> memref<8000xi32, #tpu.memory_space<hbm>>
    %dma_start3A_28 = tpu.memref_slice %arg2[%add3A_26] : memref<6400000xi32, #tpu.memory_space<hbm>> -> memref<8000xi32, #tpu.memory_space<hbm>>
    tpu.enqueue_dma source(%dma_start3A_28 : memref<8000xi32, #tpu.memory_space<hbm>>) target(%arg11 : memref<8000xi32, #tpu.memory_space<vmem>>) target_semaphore(%arg21 : memref<!tpu.dma_semaphore, #tpu.memory_space<semaphore_mem>>)
    %scan3A = arith.constant 0 : i32
    %scan3A_29 = arith.constant 0 : i32
    %scan3A_30 = arith.constant 5 : i32
    %scan3A_31 = arith.addi %scan3A_29, %scan3A_30 : i32
    %scan3A_32 = arith.constant 1 : i32
    scf.for %scan3A_34 = %scan3A_29 to %scan3A_31 step %scan3A_32  : i32 {
      %mul3A_35 = arith.constant 5 : i32
      %mul3A_36 = arith.muli %scan3A_34, %mul3A_35 : i32
      %add3A_37 = arith.constant 0 : i32
      %add3A_38 = arith.addi %mul3A_36, %add3A_37 : i32
      %mul3A_39 = arith.constant 8000 : i32
      %mul3A_40 = arith.muli %add3A_38, %mul3A_39 : i32
      %add3A_41 = arith.addi %mul3A_2, %mul3A_40 : i32
      %dma_wait3A = tpu.memref_slice %arg2[%add3A_41] : memref<6400000xi32, #tpu.memory_space<hbm>> -> memref<8000xi32, #tpu.memory_space<hbm>>
      %dma_wait3A_42 = tpu.memref_slice %arg2[%add3A_41] : memref<6400000xi32, #tpu.memory_space<hbm>> -> memref<8000xi32, #tpu.memory_space<hbm>>
      tpu.wait_dma2 semaphore(%arg17 : memref<!tpu.dma_semaphore, #tpu.memory_space<semaphore_mem>>) src(%dma_wait3A_42 : memref<8000xi32, #tpu.memory_space<hbm>>) dst(%arg7 : memref<8000xi32, #tpu.memory_space<vmem>>)
      %add3A_43 = arith.constant 5 : i32
      %add3A_44 = arith.addi %add3A_38, %add3A_43 : i32
      %lt3A = arith.constant 25 : i32
      %lt3A_45 = arith.cmpi slt, %add3A_44, %lt3A : i32
      %convert_element_type3A = arith.extui %lt3A_45 : i1 to i32
      %cond3A = arith.constant 0 : i32
      %cond3A_46 = arith.cmpi ne, %convert_element_type3A, %cond3A : i32
      scf.if %cond3A_46 {
        %add3A_111 = arith.constant 40000 : i32
        %add3A_112 = arith.addi %add3A_41, %add3A_111 : i32
        %dma_start3A_113 = tpu.memref_slice %arg2[%add3A_112] : memref<6400000xi32, #tpu.memory_space<hbm>> -> memref<8000xi32, #tpu.memory_space<hbm>>
        %dma_start3A_114 = tpu.memref_slice %arg2[%add3A_112] : memref<6400000xi32, #tpu.memory_space<hbm>> -> memref<8000xi32, #tpu.memory_space<hbm>>
        tpu.enqueue_dma source(%dma_start3A_114 : memref<8000xi32, #tpu.memory_space<hbm>>) target(%arg7 : memref<8000xi32, #tpu.memory_space<vmem>>) target_semaphore(%arg17 : memref<!tpu.dma_semaphore, #tpu.memory_space<semaphore_mem>>)
      } else {
      }
      %mul3A_47 = arith.constant 5 : i32
      %mul3A_48 = arith.muli %scan3A_34, %mul3A_47 : i32
      %add3A_49 = arith.constant 1 : i32
      %add3A_50 = arith.addi %mul3A_48, %add3A_49 : i32
      %mul3A_51 = arith.constant 8000 : i32
      %mul3A_52 = arith.muli %add3A_50, %mul3A_51 : i32
      %add3A_53 = arith.addi %mul3A_2, %mul3A_52 : i32
      %dma_wait3A_54 = tpu.memref_slice %arg2[%add3A_53] : memref<6400000xi32, #tpu.memory_space<hbm>> -> memref<8000xi32, #tpu.memory_space<hbm>>
      %dma_wait3A_55 = tpu.memref_slice %arg2[%add3A_53] : memref<6400000xi32, #tpu.memory_space<hbm>> -> memref<8000xi32, #tpu.memory_space<hbm>>
      tpu.wait_dma2 semaphore(%arg18 : memref<!tpu.dma_semaphore, #tpu.memory_space<semaphore_mem>>) src(%dma_wait3A_55 : memref<8000xi32, #tpu.memory_space<hbm>>) dst(%arg8 : memref<8000xi32, #tpu.memory_space<vmem>>)
      %add3A_56 = arith.constant 5 : i32
      %add3A_57 = arith.addi %add3A_50, %add3A_56 : i32
      %lt3A_58 = arith.constant 25 : i32
      %lt3A_59 = arith.cmpi slt, %add3A_57, %lt3A_58 : i32
      %convert_element_type3A_60 = arith.extui %lt3A_59 : i1 to i32
      %cond3A_61 = arith.constant 0 : i32
      %cond3A_62 = arith.cmpi ne, %convert_element_type3A_60, %cond3A_61 : i32
      scf.if %cond3A_62 {
        %add3A_111 = arith.constant 40000 : i32
        %add3A_112 = arith.addi %add3A_53, %add3A_111 : i32
        %dma_start3A_113 = tpu.memref_slice %arg2[%add3A_112] : memref<6400000xi32, #tpu.memory_space<hbm>> -> memref<8000xi32, #tpu.memory_space<hbm>>
        %dma_start3A_114 = tpu.memref_slice %arg2[%add3A_112] : memref<6400000xi32, #tpu.memory_space<hbm>> -> memref<8000xi32, #tpu.memory_space<hbm>>
        tpu.enqueue_dma source(%dma_start3A_114 : memref<8000xi32, #tpu.memory_space<hbm>>) target(%arg8 : memref<8000xi32, #tpu.memory_space<vmem>>) target_semaphore(%arg18 : memref<!tpu.dma_semaphore, #tpu.memory_space<semaphore_mem>>)
      } else {
      }
      %mul3A_63 = arith.constant 5 : i32
      %mul3A_64 = arith.muli %scan3A_34, %mul3A_63 : i32
      %add3A_65 = arith.constant 2 : i32
      %add3A_66 = arith.addi %mul3A_64, %add3A_65 : i32
      %mul3A_67 = arith.constant 8000 : i32
      %mul3A_68 = arith.muli %add3A_66, %mul3A_67 : i32
      %add3A_69 = arith.addi %mul3A_2, %mul3A_68 : i32
      %dma_wait3A_70 = tpu.memref_slice %arg2[%add3A_69] : memref<6400000xi32, #tpu.memory_space<hbm>> -> memref<8000xi32, #tpu.memory_space<hbm>>
      %dma_wait3A_71 = tpu.memref_slice %arg2[%add3A_69] : memref<6400000xi32, #tpu.memory_space<hbm>> -> memref<8000xi32, #tpu.memory_space<hbm>>
      tpu.wait_dma2 semaphore(%arg19 : memref<!tpu.dma_semaphore, #tpu.memory_space<semaphore_mem>>) src(%dma_wait3A_71 : memref<8000xi32, #tpu.memory_space<hbm>>) dst(%arg9 : memref<8000xi32, #tpu.memory_space<vmem>>)
      %add3A_72 = arith.constant 5 : i32
      %add3A_73 = arith.addi %add3A_66, %add3A_72 : i32
      %lt3A_74 = arith.constant 25 : i32
      %lt3A_75 = arith.cmpi slt, %add3A_73, %lt3A_74 : i32
      %convert_element_type3A_76 = arith.extui %lt3A_75 : i1 to i32
      %cond3A_77 = arith.constant 0 : i32
      %cond3A_78 = arith.cmpi ne, %convert_element_type3A_76, %cond3A_77 : i32
      scf.if %cond3A_78 {
        %add3A_111 = arith.constant 40000 : i32
        %add3A_112 = arith.addi %add3A_69, %add3A_111 : i32
        %dma_start3A_113 = tpu.memref_slice %arg2[%add3A_112] : memref<6400000xi32, #tpu.memory_space<hbm>> -> memref<8000xi32, #tpu.memory_space<hbm>>
        %dma_start3A_114 = tpu.memref_slice %arg2[%add3A_112] : memref<6400000xi32, #tpu.memory_space<hbm>> -> memref<8000xi32, #tpu.memory_space<hbm>>
        tpu.enqueue_dma source(%dma_start3A_114 : memref<8000xi32, #tpu.memory_space<hbm>>) target(%arg9 : memref<8000xi32, #tpu.memory_space<vmem>>) target_semaphore(%arg19 : memref<!tpu.dma_semaphore, #tpu.memory_space<semaphore_mem>>)
      } else {
      }
      %mul3A_79 = arith.constant 5 : i32
      %mul3A_80 = arith.muli %scan3A_34, %mul3A_79 : i32
      %add3A_81 = arith.constant 3 : i32
      %add3A_82 = arith.addi %mul3A_80, %add3A_81 : i32
      %mul3A_83 = arith.constant 8000 : i32
      %mul3A_84 = arith.muli %add3A_82, %mul3A_83 : i32
      %add3A_85 = arith.addi %mul3A_2, %mul3A_84 : i32
      %dma_wait3A_86 = tpu.memref_slice %arg2[%add3A_85] : memref<6400000xi32, #tpu.memory_space<hbm>> -> memref<8000xi32, #tpu.memory_space<hbm>>
      %dma_wait3A_87 = tpu.memref_slice %arg2[%add3A_85] : memref<6400000xi32, #tpu.memory_space<hbm>> -> memref<8000xi32, #tpu.memory_space<hbm>>
      tpu.wait_dma2 semaphore(%arg20 : memref<!tpu.dma_semaphore, #tpu.memory_space<semaphore_mem>>) src(%dma_wait3A_87 : memref<8000xi32, #tpu.memory_space<hbm>>) dst(%arg10 : memref<8000xi32, #tpu.memory_space<vmem>>)
      %add3A_88 = arith.constant 5 : i32
      %add3A_89 = arith.addi %add3A_82, %add3A_88 : i32
      %lt3A_90 = arith.constant 25 : i32
      %lt3A_91 = arith.cmpi slt, %add3A_89, %lt3A_90 : i32
      %convert_element_type3A_92 = arith.extui %lt3A_91 : i1 to i32
      %cond3A_93 = arith.constant 0 : i32
      %cond3A_94 = arith.cmpi ne, %convert_element_type3A_92, %cond3A_93 : i32
      scf.if %cond3A_94 {
        %add3A_111 = arith.constant 40000 : i32
        %add3A_112 = arith.addi %add3A_85, %add3A_111 : i32
        %dma_start3A_113 = tpu.memref_slice %arg2[%add3A_112] : memref<6400000xi32, #tpu.memory_space<hbm>> -> memref<8000xi32, #tpu.memory_space<hbm>>
        %dma_start3A_114 = tpu.memref_slice %arg2[%add3A_112] : memref<6400000xi32, #tpu.memory_space<hbm>> -> memref<8000xi32, #tpu.memory_space<hbm>>
        tpu.enqueue_dma source(%dma_start3A_114 : memref<8000xi32, #tpu.memory_space<hbm>>) target(%arg10 : memref<8000xi32, #tpu.memory_space<vmem>>) target_semaphore(%arg20 : memref<!tpu.dma_semaphore, #tpu.memory_space<semaphore_mem>>)
      } else {
      }
      %mul3A_95 = arith.constant 5 : i32
      %mul3A_96 = arith.muli %scan3A_34, %mul3A_95 : i32
      %add3A_97 = arith.constant 4 : i32
      %add3A_98 = arith.addi %mul3A_96, %add3A_97 : i32
      %mul3A_99 = arith.constant 8000 : i32
      %mul3A_100 = arith.muli %add3A_98, %mul3A_99 : i32
      %add3A_101 = arith.addi %mul3A_2, %mul3A_100 : i32
      %dma_wait3A_102 = tpu.memref_slice %arg2[%add3A_101] : memref<6400000xi32, #tpu.memory_space<hbm>> -> memref<8000xi32, #tpu.memory_space<hbm>>
      %dma_wait3A_103 = tpu.memref_slice %arg2[%add3A_101] : memref<6400000xi32, #tpu.memory_space<hbm>> -> memref<8000xi32, #tpu.memory_space<hbm>>
      tpu.wait_dma2 semaphore(%arg21 : memref<!tpu.dma_semaphore, #tpu.memory_space<semaphore_mem>>) src(%dma_wait3A_103 : memref<8000xi32, #tpu.memory_space<hbm>>) dst(%arg11 : memref<8000xi32, #tpu.memory_space<vmem>>)
      %add3A_104 = arith.constant 5 : i32
      %add3A_105 = arith.addi %add3A_98, %add3A_104 : i32
      %lt3A_106 = arith.constant 25 : i32
      %lt3A_107 = arith.cmpi slt, %add3A_105, %lt3A_106 : i32
      %convert_element_type3A_108 = arith.extui %lt3A_107 : i1 to i32
      %cond3A_109 = arith.constant 0 : i32
      %cond3A_110 = arith.cmpi ne, %convert_element_type3A_108, %cond3A_109 : i32
      scf.if %cond3A_110 {
        %add3A_111 = arith.constant 40000 : i32
        %add3A_112 = arith.addi %add3A_101, %add3A_111 : i32
        %dma_start3A_113 = tpu.memref_slice %arg2[%add3A_112] : memref<6400000xi32, #tpu.memory_space<hbm>> -> memref<8000xi32, #tpu.memory_space<hbm>>
        %dma_start3A_114 = tpu.memref_slice %arg2[%add3A_112] : memref<6400000xi32, #tpu.memory_space<hbm>> -> memref<8000xi32, #tpu.memory_space<hbm>>
        tpu.enqueue_dma source(%dma_start3A_114 : memref<8000xi32, #tpu.memory_space<hbm>>) target(%arg11 : memref<8000xi32, #tpu.memory_space<vmem>>) target_semaphore(%arg21 : memref<!tpu.dma_semaphore, #tpu.memory_space<semaphore_mem>>)
      } else {
      }
    }
    %scan3A_33 = arith.constant 5 : i32
    return
  }
}

</mosaic_0001>

<sc_bundles>
// kernel: kernel.3.cloned.1.call-start
scs
__scs_entry_jumppad:
0x0: {  	(pc) =	sbr.rel $0x88, $3  }
0x1: {  	(tag) =	ssettag $0x0;
	lr =	simm.s32 $0x1  }
0x2: {  	[smem:$0x3F9F] =	sst lr;
	_ =	strace $0xD0000000  }
0x3: {  	_ = 	snop  }
0x4: {  	_ = 	snop  }
0x5: {  	_ = 	snop  }
0x6: {  	_ = 	snop  }
0x7: {  	_ = 	snop  }
__scs_overlays_trampoline_lowered:
0x8: {  	[smem:$0x3FAE] =	sst s0  }
0x9: {  	[smem:$0x3FAF] =	sst s1  }
0xa: {  	[smem:$0x3FB0] =	sst s2  }
0xb: {  	[smem:$0x3FB1] =	sst s3  }
0xc: {  	[smem:$0x3FB2] =	sst s4  }
0xd: {  	[smem:$0x3FB3] =	sst s5  }
0xe: {  	[smem:$0x3FB4] =	sst s6  }
0xf: {  	[smem:$0x3FB5] =	sst s7  }
0x10: {  	[smem:$0x3FB6] =	sst s8  }
0x11: {  	[smem:$0x3FB7] =	sst s9;
	s0 =	simm.s32 @!p0 $0x0  }
0x12: {  	s1 =	sld [smem:$0x3F9D];
	s0 =	simm.s32 @p0 $0x1  }
0x13: {  	[smem:$0x3FB8] =	sst s0;
	s0 =	simm.s32 @!p1 $0x0  }
0x14: {  	s2 =	sld [smem:$0x3F9C];
	s0 =	simm.s32 @p1 $0x1  }
0x15: {  	[smem:$0x3FB9] =	sst s0;
	s0 =	simm.s32 @!p2 $0x0  }
0x16: {  	s3 =	sld [smem:$0x3FDB];
	s0 =	simm.s32 @p2 $0x1  }
0x17: {  	s4 =	simm.s32 $0x1BF5;
	[smem:$0x3FBB] =	sst s0  }
0x18: {  	s0 =	sld [smem:$0x3F9E];
	_ =	swait.ge [sflag:s4], $0x0  }
0x19: {  	s7 =	sld [smem:$0x3F9F]  }
0x1a: {  	s8 =	sadd.s32 $0xFFFFE003, lr  }
0x1b: {  	s9 =	sadd.s32 $0xFFFFFEF7, lr;
	s5 =	simm.s32 $0xFFFFFFFF;
	p2 =	slt.u32 s8, $0xFFFFF086  }
0x1c: {  	p1 =	slt.u32 s9, $0xF7A;
	s5 =	simm.s32 @!p2 $0x0  }
0x1d: {  	s5 =	simm.s32 @p1 $0x1;
	p0 =	seq.s32 s7, s2  }
0x1e: {  	s7 =	smul.u32 @!p0 $0xF7A, s2;
	p2 =	seq.s32 @!p0 s5, $0x0  }
0x1f: {  	s9 =	smul.u32 $0xF7A, s1;
	s8 =	simm.s32 @!p0 $0x1BF5;
	p2 =	por !p2, p0  }
0x20: {  	[sflag:s8] =	ssyncset.s32 @!p0 $0xFFFFF086;
	s6 =	sadd.s32 @!p0 s3, s7;
	s7 =	simm.s32 @!p0 $0x108  }
0x21: {  	s3 =	sadd.s32 s3, s9;
	s6 =	sadd.s32 @!p0 $0x88, s6;
	s7 =	simm.s32 @p2 $0x1082  }
0x22: {  	[simem:s7], [sflag:s8] =	dma.local @!p0 [hbm:s6], $0xF7A  }
0x23: {  	s9 =	sor.u32 $0xD0000000, s2;
	s6 =	simm.s32 $0x108;
	_ =	swait.ge @!p0 [sflag:s8], $0x0  }
0x24: {  	s3 =	sadd.s32 $0x88, s3;
	s6 =	simm.s32 @!p1 $0x1082;
	[sflag:s4] =	ssyncset.s32 $0xFFFFF086  }
0x25: {  	[simem:s6], [sflag:s4] =	dma.local [hbm:s3], $0xF7A  }
0x26: {  	[smem:$0x3F9F] =	sst s1;
	(tag) =	ssettag s2;
	_ =	strace s9  }
0x27: {  	s1 =	sld [smem:$0x3FAF]  }
0x28: {  	s2 =	sld [smem:$0x3FB0]  }
0x29: {  	s4 =	sld [smem:$0x3FB2]  }
0x2a: {  	p0 =	seq.s32 s5, $0x0;
	s5 =	sld [smem:$0x3FB3]  }
0x2b: {  	s6 =	sld [smem:$0x3FB4]  }
0x2c: {  	s7 =	sld [smem:$0x3FB5]  }
0x2d: {  	s3 =	simm.s32 $0x108;
	s8 =	sld [smem:$0x3FB6]  }
0x2e: {  	s3 =	simm.s32 @!p0 $0x1082;
	s9 =	sld [smem:$0x3FB7]  }
0x2f: {  	lr =	sadd.s32 s0, s3;
	s0 =	sld [smem:$0x3FAE]  }
0x30: {  	s3 =	sld [smem:$0x3FB1]  }
0x31: {  	[smem:$0x3FBA] =	sst s10  }
0x32: {  	s10 =	sld [smem:$0x3FB8];
	_ =	sdelay $0x3  }
0x33: {  	p0 =	seq.s32 s10, $0x1;
	s10 =	sld [smem:$0x3FBA];
	_ =	sdelay $0x3  }
0x34: {  	[smem:$0x3FBA] =	sst s10  }
0x35: {  	s10 =	sld [smem:$0x3FB9];
	_ =	sdelay $0x3  }
0x36: {  	p1 =	seq.s32 s10, $0x1;
	s10 =	sld [smem:$0x3FBA];
	_ =	sdelay $0x3  }
0x37: {  	[smem:$0x3FBA] =	sst s10  }
0x38: {  	s10 =	sld [smem:$0x3FBB]  }
0x39: {  	_ = 	snop;
	(pc) =	sbr.ind lr, $3  }
0x3a: {  	_ = 	snop  }
0x3b: {  	_ = 	snop  }
0x3c: {  	p2 =	seq.s32 s10, $0x1;
	s10 =	sld [smem:$0x3FBA]  }
0x3d: {  	_ =	shalt  }
0x3e: {  	_ =	shalt  }
0x3f: {  	_ =	shalt  }
0x40: {  	_ =	shalt  }
0x41: {  	_ =	shalt  }
0x42: {  	_ =	shalt  }
0x43: {  	_ =	shalt  }
0x44: {  	_ =	shalt  }
0x45: {  	_ =	shalt  }
0x46: {  	_ =	shalt  }
0x47: {  	_ =	shalt  }
0x48: {  	_ =	shalt  }
0x49: {  	_ =	shalt  }
0x4a: {  	_ =	shalt  }
0x4b: {  	_ =	shalt  }
0x4c: {  	_ =	shalt  }
0x4d: {  	_ =	shalt  }
0x4e: {  	_ =	shalt  }
0x4f: {  	_ =	shalt  }
0x50: {  	_ =	shalt  }
0x51: {  	_ =	shalt  }
0x52: {  	_ =	shalt  }
0x53: {  	_ =	shalt  }
0x54: {  	_ =	shalt  }
0x55: {  	_ =	shalt  }
0x56: {  	_ =	shalt  }
0x57: {  	_ =	shalt  }
0x58: {  	_ =	shalt  }
0x59: {  	_ =	shalt  }
0x5a: {  	_ =	shalt  }
0x5b: {  	_ =	shalt  }
0x5c: {  	_ =	shalt  }
0x5d: {  	_ =	shalt  }
0x5e: {  	_ =	shalt  }
0x5f: {  	_ =	shalt  }
0x60: {  	_ =	shalt  }
0x61: {  	_ =	shalt  }
0x62: {  	_ =	shalt  }
0x63: {  	_ =	shalt  }
0x64: {  	_ =	shalt  }
0x65: {  	_ =	shalt  }
0x66: {  	_ =	shalt  }
0x67: {  	_ =	shalt  }
0x68: {  	_ =	shalt  }
0x69: {  	_ =	shalt  }
0x6a: {  	_ =	shalt  }
0x6b: {  	_ =	shalt  }
0x6c: {  	_ =	shalt  }
0x6d: {  	_ =	shalt  }
0x6e: {  	_ =	shalt  }
0x6f: {  	_ =	shalt  }
0x70: {  	_ =	shalt  }
0x71: {  	_ =	shalt  }
0x72: {  	_ =	shalt  }
0x73: {  	_ =	shalt  }
0x74: {  	_ =	shalt  }
0x75: {  	_ =	shalt  }
0x76: {  	_ =	shalt  }
0x77: {  	_ =	shalt  }
0x78: {  	_ =	shalt  }
0x79: {  	_ =	shalt  }
0x7a: {  	_ =	shalt  }
0x7b: {  	_ =	shalt  }
0x7c: {  	_ =	shalt  }
0x7d: {  	_ =	shalt  }
0x7e: {  	_ =	shalt  }
0x7f: {  	_ =	shalt  }
0x80: {  	_ =	shalt  }
0x81: {  	_ =	shalt  }
0x82: {  	_ =	shalt  }
0x83: {  	_ =	shalt  }
0x84: {  	_ =	shalt  }
0x85: {  	_ =	shalt  }
0x86: {  	_ =	shalt  }
0x87: {  	_ =	shalt  }
.Lfunc_end0:
.L_simem_size_0:
called_computation_lowered:
.L_overlay_start_0:
0x88: {  	s2 =	sld [smem:$0x3FD9]  }
0x89: {  	s3 =	sld [smem:$0x3FFE];
	_ =	sdelay $0x1  }
0x8a: {  	s1 =	srdreg.scid  }
0x8b: {  	s0 =	sand.u32 $0x1, s1  }
0x8c: {  	s18 =	sshll.u32 s0, $0xA;
	s2 =	sadd.s32 s3, s2  }
0x8d: {  	s2 =	sadd.s32 s2, s18  }
0x8e: {  	[smem:$0x3FC6] =	sst s2  }
0x8f: {  	_ = 	snop  }
0x90: {  	s2 =	sld [smem:$0x3FC9]  }
0x91: {  	s19 =	sld [smem:$0x3FC8];
	(tm) =	ssettm $0x1  }
0x92: {  	s4 =	sld [smem:$0x3FFB];
	_ =	sdelay $0x3  }
0x93: {  	_ =	strace s4  }
0x94: {  	s4 =	sld [smem:$0x3FFC];
	_ =	sdelay $0x3  }
0x95: {  	_ =	strace s4  }
0x96: {  	s4 =	sld [smem:$0x3FFD];
	_ =	sdelay $0x3  }
0x97: {  	_ =	strace s4  }
0x98: {  	_ =	strace $0x8FFFFFFF  }
0x99: {  	s20 =	sld [smem:$0x3FDB];
	_ =	sdelay $0x1  }
0x9a: {  	s5 =	simm.s32 $_scs_section_size  }
0x9b: {  	s6 =	simm.s32 $_size__tile_overlayer_lowered;
	s7 =	simm.s32 $_tile_overlayer_lowered  }
0x9c: {  	s23 =	simm.s32 $0x1BFF;
	s22 =	sshll.u32 s7, $0x1;
	s4 =	sadd.s32 s5, s20  }
0x9d: {  	s8 =	simm.s32 $0x0;
	s21 =	sshll.u32 s6, $0x1;
	s6 =	sadd.s32 s22, s4  }
0x9e: {  	[timem:s8], [sflag:s23] =	dma.local [hbm:s6], s21  }
0x9f: {  	_ =	swait.ge [sflag:s23], s21  }
0xa0: {  	s5 =	ssub.s32 $0x0, s21;
	[sflag:s23] =	ssyncset.done $0x0  }
0xa1: {  	[sflag:s23] =	ssyncadd.s32 s5;
	_ =	sdelay $0x1  }
0xa2: {  	s24 =	simm.s32 $0x1B8B  }
0xa3: {  	_ =	swait.ge [sflag:s24], $0x1  }
0xa4: {  	[sflag:s24] =	ssyncset.done $0x0  }
0xa5: {  	s25 =	simm.s32 $0x1B8E;
	[sflag:s24] =	ssyncadd.s32 $0xFFFFFFFF  }
0xa6: {  	s26 =	simm.s32 $execute0_lowered;
	[smem:$0x3FD2] =	sst s25  }
0xa7: {  	s5 =	sshll.u32 s26, $0x1;
	_ =	strace $0x80000046;
	[dreg:$0x1] =	wrdreg $0xFFFFFFFF  }
0xa8: {  	s28 =	simm.s32 $_size_execute0_lowered;
	s4 =	sadd.s32 s4, s5;
	[dreg:$0x0] =	wrdreg $0x0  }
0xa9: {  	s5 =	sshll.u32 s28, $0x1;
	[dreg:$0x2] =	wrdreg s4  }
0xaa: {  	[dreg:$0x3] =	wrdreg s5  }
0xab: {  	[dreg:$0x4] =	wrdreg $0xC0  }
0xac: {  	_ =	task [dreg:s8], $0x5FFFF  }
0xad: {  	[dreg:$0x1] =	wrdreg $0xFFFFFFFF  }
0xae: {  	[dreg:$0x0] =	wrdreg $0x60  }
0xaf: {  	[dreg:$0x2] =	wrdreg s2  }
0xb0: {  	[dreg:$0x3] =	wrdreg s19  }
0xb1: {  	[dreg:$0x4] =	wrdreg $0x9  }
0xb2: {  	_ =	task.clear_ibuf [dreg:s8], $0x5FFFF;
	_ =	strace $0x90000046  }
0xb3: {  	s29 =	simm.s32 $0x9;
	_ =	strace $0x80000048  }
0xb4: {  	_ =	swait.ge [sflag:s29], $0x1  }
0xb5: {  	[sflag:s29] =	ssyncadd.s32 $0xFFFFFFFF  }
0xb6: {  	_ =	strace $0x90000048  }
0xb7: {  	_ =	sfence  }
0xb8: {  	s30 =	sld [smem:$0x0];
	_ =	sdelay $0x2  }
0xb9: {  	s31 =	sshll.u32 s1, $0xD;
	s1 =	sshrl.u32 s1, $0x2  }
0xba: {  	s3 =	sand.u32 $0x4000, s31;
	s1 =	sadd.s32 s1, s30  }
0xbb: {  	s0 =	sor.u32 s3, s0;
	s1 =	sshll.u32 s1, $0x11  }
0xbc: {  	s0 =	sor.u32 s1, s0  }
0xbd: {  	s0 =	sadd.s32 $0x8F2B, s0  }
0xbe: {  	[sflag:s0] =	ssyncadd.remote.s32 $0x1  }
0xbf: {  	_ =	sfence.sel $0xFFFF  }
0xc0: {  	[dreg:$0x0] =	wrdreg $0xFFFFFFFF;
	(pc) =	sbr.abs _section_cstart, $3  }
0xc1: {  	[dreg:$0x1] =	wrdreg $0xFFFFFFFF  }
0xc2: {  	_ =	task.clear_ibuf [dreg:s8], $0x2FFFF;
	_ =	strace $0x9FFFFFFF  }
0xc3: {  	(tm) =	ssettm $0x7FFFFFFF  }
tec
execute0_lowered:
.L_overlay_start_1:
0x0: {  	(tag) =	ssettag $0x1  }
0x1: {  	s1 =	srdreg.scid;
	s2 =	rddreg [dreg:$0x0]  }
0x2: {  	s0 =	stileid.u32;
	s3 =	rddreg [dreg:$0x1]  }
0x3: {  	s4 =	simm.s32 $0x0;
	s16 =	simm.s32 $0x6;
	s17 =	simm.s32 $0x100  }
0x4: {  	s18 =	simm.s32 $0x2080;
	s19 =	simm.s32 $0x4000;
	s20 =	simm.s32 $0x5F80  }
0x5: {  	s21 =	simm.s32 $0x7F00;
	s22 =	simm.s32 $0x1;
	s23 =	simm.s32 $0x2  }
0x6: {  	s24 =	simm.s32 $0x3;
	s25 =	simm.s32 $0x4;
	s26 =	simm.s32 $0x5  }
0x7: {  	s5 =	sand.u32 $0x1, s1;
	s30 =	sshll.u32 s0, $0x1;
	s7 =	smul.u32 $0x61A80, s0  }
0x8: {  	s28 =	simm.s32 $0x0;
	s1 =	sor.u32 s5, s30;
	s9 =	smul.u32 $0x30D40, s5  }
0x9: {  	[smem:$0x7FF] =	sst s4;
	s8 =	ssub.s32 $0x2, s5;
	s6 =	smul.u32 $0x30D40, s1  }
0xa: {  	_ =	strace $0x80000047;
	s31 =	sshrl.u32 s8, $0x1;
	s15 =	sadd.s32 s9, s7  }
0xb: {  	s10 =	ssub.s32 s8, s31;
	s6 =	sshrl.u32 s6, $0x3;
	s11 =	sadd.s32 $0x11940, s15  }
0xc: {  	s10 =	smax.u32 s10, $0x1;
	s12 =	sadd.s32 $0xFA00, s15;
	s13 =	sadd.s32 $0xDAC0, s15  }
0xd: {  	s14 =	sadd.s32 $0xBB80, s15;
	s15 =	sadd.s32 $0x9C40, s15;
	s5 =	sadd.s32 s2, s6  }
0xe: {  	s11 =	sshrl.u32 s11, $0x3;
	s12 =	sshrl.u32 s12, $0x3;
	s13 =	sshrl.u32 s13, $0x3  }
0xf: {  	s14 =	sshrl.u32 s14, $0x3;
	s6 =	sadd.s32 $0x3E8, s5;
	s7 =	sadd.s32 $0x7D0, s5  }
0x10: {  	s8 =	sadd.s32 $0xBB8, s5;
	s9 =	sadd.s32 $0xFA0, s5;
	s11 =	sadd.s32 s11, s2  }
0x11: {  	s12 =	sadd.s32 s12, s2;
	s13 =	sadd.s32 s13, s2;
	s14 =	sadd.s32 s14, s2  }
.LBB2_1:
0x12: {  	[tilespmem:s4], [sflag:$0x6] =	stream.linear.gather [hbm4b:s3+s4], $0x11, $0x38;
	[tilespmem:$0x9E80] =	vst v63  }
0x13: {  	_ =	swait.ge [sflag:s16], $0x11  }
0x14: {  	[sflag:s16] =	ssyncset.done $0x0  }
0x15: {  	[sflag:s16] =	ssyncadd.s32 $0xFFFFFFEF  }
0x16: {  	v0 =	vld [tilespmem:$0x0]  }
0x17: {  	v1 =	vld [tilespmem:$0x10];
	_ =	sdelay $0x3  }
0x18: {  	v0 =	vmul.f32 $1.442695020e+00, v0  }
0x19: {  	v1 =	vmul.f32 $1.442695020e+00, v1  }
0x1a: {  	(erf) = vpow2.f32 v0  }
0x1b: {  	(erf) = vpow2.f32 v1;
	_ =	sdelay $0x7  }
0x1c: {  	v0 =	vpop (erf)  }
0x1d: {  	[tilespmem:$0x80] =	vst v0;
	v63 =	vpop (erf)  }
0x1e: {  	[tilespmem:$0x90] =	vst v63  }
0x1f: {  	[tilespmem:s17], [sflag:$0x1] =	stream.linear.gather [hbm4b:s5+s4], $0x1F40, $0x38;
	[tilespmem:$0x9E80] =	vst v63  }
0x20: {  	_ = 	snop  }
0x21: {  	[tilespmem:s18], [sflag:$0x2] =	stream.linear.gather [hbm4b:s6+s4], $0x1F40, $0x38;
	[tilespmem:$0x9E80] =	vst v63  }
0x22: {  	_ = 	snop  }
0x23: {  	[tilespmem:s19], [sflag:$0x3] =	stream.linear.gather [hbm4b:s7+s4], $0x1F40, $0x38;
	[tilespmem:$0x9E80] =	vst v63  }
0x24: {  	_ = 	snop  }
0x25: {  	[tilespmem:s20], [sflag:$0x4] =	stream.linear.gather [hbm4b:s8+s4], $0x1F40, $0x38;
	[tilespmem:$0x9E80] =	vst v63  }
0x26: {  	_ = 	snop  }
0x27: {  	[tilespmem:s21], [sflag:$0x5] =	stream.linear.gather [hbm4b:s9+s4], $0x1F40, $0x38;
	[tilespmem:$0x9E80] =	vst v63  }
0x28: {  	_ =	swait.ge [sflag:s22], $0x1F40  }
0x29: {  	s29 =	sshrl.u32 s15, $0x3;
	[sflag:s22] =	ssyncset.done $0x0  }
0x2a: {  	s29 =	sadd.s32 s2, s29;
	[sflag:s22] =	ssyncadd.s32 $0xFFFFE0C0  }
0x2b: {  	[tilespmem:s17], [sflag:$0x1] =	stream.linear.gather [hbm4b:s29+s4], $0x1F40, $0x38;
	[tilespmem:$0x9E80] =	vst v63  }
0x2c: {  	_ =	swait.ge [sflag:s23], $0x1F40  }
0x2d: {  	[sflag:s23] =	ssyncset.done $0x0  }
0x2e: {  	s29 =	sadd.s32 $0x0, s14;
	[sflag:s23] =	ssyncadd.s32 $0xFFFFE0C0  }
0x2f: {  	[tilespmem:s18], [sflag:$0x2] =	stream.linear.gather [hbm4b:s29+s4], $0x1F40, $0x38;
	[tilespmem:$0x9E80] =	vst v63  }
0x30: {  	_ =	swait.ge [sflag:s24], $0x1F40  }
0x31: {  	[sflag:s24] =	ssyncset.done $0x0  }
0x32: {  	s29 =	sadd.s32 $0x0, s13;
	[sflag:s24] =	ssyncadd.s32 $0xFFFFE0C0  }
0x33: {  	[tilespmem:s19], [sflag:$0x3] =	stream.linear.gather [hbm4b:s29+s4], $0x1F40, $0x38;
	[tilespmem:$0x9E80] =	vst v63  }
0x34: {  	_ =	swait.ge [sflag:s25], $0x1F40  }
0x35: {  	[sflag:s25] =	ssyncset.done $0x0  }
0x36: {  	s29 =	sadd.s32 $0x0, s12;
	[sflag:s25] =	ssyncadd.s32 $0xFFFFE0C0  }
0x37: {  	[tilespmem:s20], [sflag:$0x4] =	stream.linear.gather [hbm4b:s29+s4], $0x1F40, $0x38;
	[tilespmem:$0x9E80] =	vst v63  }
0x38: {  	_ =	swait.ge [sflag:s26], $0x1F40  }
0x39: {  	s31 =	sadd.s32 $0x0, s11;
	[sflag:s26] =	ssyncset.done $0x0  }
0x3a: {  	s30 =	sadd.s32 $0x9C40, s15;
	s29 =	simm.s32 $0x1388;
	[sflag:s26] =	ssyncadd.s32 $0xFFFFE0C0  }
.LBB2_2:
0x3b: {  	[tilespmem:s21], [sflag:$0x5] =	stream.linear.gather [hbm4b:s31+s4], $0x1F40, $0x38;
	[tilespmem:$0x9E80] =	vst v63  }
0x3c: {  	s31 =	smov.u32 s29  }
0x3d: {  	p0 =	sne.s32 s29, $0x3A98;
	s29 =	sadd.s32 $0x1388, s29;
	_ =	swait.ge [sflag:s22], $0x1F40  }
0x3e: {  	s1 =	sshrl.u32 s30, $0x3;
	[sflag:s22] =	ssyncset.done $0x0  }
0x3f: {  	s1 =	sadd.s32 s2, s1;
	[sflag:s22] =	ssyncadd.s32 $0xFFFFE0C0  }
0x40: {  	[tilespmem:s17], [sflag:$0x1] =	stream.linear.gather [hbm4b:s1+s4], $0x1F40, $0x38;
	[tilespmem:$0x9E80] =	vst v63  }
0x41: {  	_ =	swait.ge [sflag:s23], $0x1F40  }
0x42: {  	[sflag:s23] =	ssyncset.done $0x0  }
0x43: {  	s1 =	sadd.s32 s31, s14;
	[sflag:s23] =	ssyncadd.s32 $0xFFFFE0C0  }
0x44: {  	[tilespmem:s18], [sflag:$0x2] =	stream.linear.gather [hbm4b:s1+s4], $0x1F40, $0x38;
	[tilespmem:$0x9E80] =	vst v63  }
0x45: {  	_ =	swait.ge [sflag:s24], $0x1F40  }
0x46: {  	[sflag:s24] =	ssyncset.done $0x0  }
0x47: {  	s1 =	sadd.s32 s31, s13;
	[sflag:s24] =	ssyncadd.s32 $0xFFFFE0C0  }
0x48: {  	[tilespmem:s19], [sflag:$0x3] =	stream.linear.gather [hbm4b:s1+s4], $0x1F40, $0x38;
	[tilespmem:$0x9E80] =	vst v63  }
0x49: {  	_ =	swait.ge [sflag:s25], $0x1F40  }
0x4a: {  	[sflag:s25] =	ssyncset.done $0x0  }
.Ltmp0:
0x4b: {  	s1 =	sadd.s32 s31, s12;
	[sflag:s25] =	ssyncadd.s32 $0xFFFFE0C0;
	(pc) =	sbr.rel @p0 .LBB2_2-.Ltmp0, $4  }
0x4c: {  	[tilespmem:s20], [sflag:$0x4] =	stream.linear.gather [hbm4b:s1+s4], $0x1F40, $0x38;
	[tilespmem:$0x9E80] =	vst v63  }
0x4d: {  	_ =	swait.ge [sflag:s26], $0x1F40  }
0x4e: {  	[sflag:s26] =	ssyncset.done $0x0  }
0x4f: {  	s30 =	sadd.s32 $0x9C40, s30;
	s31 =	sadd.s32 s31, s11;
	[sflag:s26] =	ssyncadd.s32 $0xFFFFE0C0  }
0x50: {  	[tilespmem:s21], [sflag:$0x5] =	stream.linear.gather [hbm4b:s31+s4], $0x1F40, $0x38;
	[tilespmem:$0x9E80] =	vst v63  }
0x51: {  	_ =	swait.ge [sflag:s22], $0x1F40  }
0x52: {  	[sflag:s22] =	ssyncset.done $0x0  }
0x53: {  	[sflag:s22] =	ssyncadd.s32 $0xFFFFE0C0  }
0x54: {  	_ =	swait.ge [sflag:s23], $0x1F40  }
0x55: {  	[sflag:s23] =	ssyncset.done $0x0  }
0x56: {  	[sflag:s23] =	ssyncadd.s32 $0xFFFFE0C0  }
0x57: {  	_ =	swait.ge [sflag:s24], $0x1F40  }
0x58: {  	[sflag:s24] =	ssyncset.done $0x0  }
0x59: {  	s28 =	sadd.s32 $0x1, s28;
	[sflag:s24] =	ssyncadd.s32 $0xFFFFE0C0  }
0x5a: {  	p0 =	sne.s32 s28, s10;
	_ =	swait.ge [sflag:s25], $0x1F40  }
.Ltmp1:
0x5b: {  	[sflag:s25] =	ssyncset.done $0x0;
	(pc) =	sbr.rel @p0 .LBB2_1-.Ltmp1, $4  }
0x5c: {  	[sflag:s25] =	ssyncadd.s32 $0xFFFFE0C0  }
0x5d: {  	_ =	swait.ge [sflag:s26], $0x1F40  }
0x5e: {  	[sflag:s26] =	ssyncset.done $0x0  }
0x5f: {  	[sflag:s26] =	ssyncadd.s32 $0xFFFFE0C0  }
0x60: {  	_ =	sfence.sel $0x180000  }
0x61: {  	[bflag:$0x0] =	sbarrier.arrive $0xFFFF  }
0x62: {  	_ =	strace $0x90000047  }
0x63: {  	[bflag:$0x2] =	sbarrier.arrive $0xFFFF  }
0x64: {  	p0 =	sne.s32 s0, $0x0;
	s0 =	rddreg [dreg:$0x2]  }
0x65: {  	s0 =	sadd.s32 @!p0 $0x100000, s0  }
0x66: {  	[sflag:s0] =	ssyncadd.tile.s32 @!p0 $0x1;
	_ =	shalt  }
.Lfunc_end2:
_tile_overlayer_lowered:
.L_overlay_start_2:
0x67: {  	(tag) =	ssettag $0x2  }
0x68: {  	s0 =	rddreg [dreg:$0x0];
	s2 =	stileid.u32  }
0x69: {  	s1 =	rddreg [dreg:$0x1];
	p0 =	sne.s32 s2, $0x0  }
0x6a: {  	s3 =	rddreg [dreg:$0x2];
	[bflag:$0x3] =	sbarrier.arrive $0xFFFF;
	s2 =	simm.s32 @!p0 $0x1C06  }
0x6b: {  	[timem:s3], [sflag:s2] =	dma.local @!p0 [hbm:s0], s1  }
0x6c: {  	s0 =	simm.s32 @!p0 $0x6  }
0x6d: {  	_ =	swait.ge @!p0 [sflag:s0], s1  }
0x6e: {  	s1 =	ssub.s32 @!p0 $0x0, s1;
	[sflag:s0] =	ssyncset.done @!p0 $0x0  }
0x6f: {  	[sflag:s0] =	ssyncadd.s32 @!p0 s1  }
0x70: {  	[bflag:$0x3] =	sbarrier.arrive $0xFFFF  }
0x71: {  	_ =	shalt  }

</sc_bundles>
